<compile_context>
chip_gen: v7x
topology: tpu7x:2x2x1
jax: 0.10.2.dev20260603
libtpu: 0.0.44.dev20260713+nightly
codegen_flags: <defaults>
</compile_context>

<pallas_src>
import dataclasses
import functools
import math

import jax
import jax.numpy as jnp
from jax import lax
from jax.experimental import pallas as pl
from jax.experimental.pallas import tpu as pltpu
from jax.experimental.pallas import tpu_sc as plsc

NBINS = 108
PF = 16
PT = 25
B = 8
F = 128
T = 500
TPAD = 512
NCHUNK = 64
ROWS = 16
CELLS_T = 20
HIST = CELLS_T * NBINS
CHUNK_ELEMS = ROWS * TPAD
NWORKERS = 32
CHUNKS_PER_W = NCHUNK // NWORKERS


def _tc_prep_body(x_ref, idx_ref, mag_ref):
    x = x_ref[...].astype(jnp.bfloat16).astype(jnp.float32)
    xp = jnp.concatenate([x[:, 1:2, :], x, x[:, F - 2:F - 1, :]], axis=1)
    xp = jnp.concatenate([xp[:, :, 1:2], xp, xp[:, :, T - 2:T - 1]], axis=2)
    t00 = xp[:, 0:F, 0:T]
    t02 = xp[:, 0:F, 2:T + 2]
    t10 = xp[:, 1:F + 1, 0:T]
    t12 = xp[:, 1:F + 1, 2:T + 2]
    t20 = xp[:, 2:F + 2, 0:T]
    t22 = xp[:, 2:F + 2, 2:T + 2]
    gx = t00 - t02 + 2.0 * t10 - 2.0 * t12 + t20 - t22
    gy = t00 - t20 + 2.0 * xp[:, 0:F, 1:T + 1] - 2.0 * xp[:, 2:F + 2, 1:T + 1] + t02 - t22
    mag = jnp.sqrt(gx * gx + gy * gy)
    phase = jnp.arctan2(gx, gy) / jnp.pi * NBINS
    bin_ = jnp.mod(jnp.floor(phase).astype(jnp.int32), NBINS)
    tb = lax.broadcasted_iota(jnp.int32, (B, F, T), 2) // PT
    idx = tb * NBINS + bin_
    zi = jnp.zeros((B, F, TPAD - T), jnp.int32)
    zm = jnp.zeros((B, F, TPAD - T), jnp.float32)
    idx_ref[...] = jnp.concatenate([idx, zi], axis=2)
    mag_ref[...] = jnp.concatenate([mag, zm], axis=2)


_tc_prep = pl.pallas_call(
    _tc_prep_body,
    out_shape=(
        jax.ShapeDtypeStruct((B, F, TPAD), jnp.int32),
        jax.ShapeDtypeStruct((B, F, TPAD), jnp.float32),
    ),
)


@functools.cache
def _make_sc_hist():
    mesh = plsc.VectorSubcoreMesh(core_axis_name="c", subcore_axis_name="s")
    cp = pltpu.CompilerParams()
    if "needs_layout_passes" in pltpu.CompilerParams.__dataclass_fields__:
        cp = dataclasses.replace(cp, needs_layout_passes=False)

    @functools.partial(
        pl.kernel,
        compiler_params=cp,
        out_type=jax.ShapeDtypeStruct((NCHUNK, HIST), jnp.float32),
        mesh=mesh,
        scratch_types=[
            pltpu.VMEM((CHUNK_ELEMS,), jnp.int32),
            pltpu.VMEM((CHUNK_ELEMS,), jnp.float32),
            pltpu.VMEM((HIST,), jnp.float32),
            pltpu.SemaphoreType.DMA,
        ],
    )
    def _sc_hist(idx_hbm, mag_hbm, out_hbm, idx_v, mag_v, hist_v, sem):
        wid = lax.axis_index("s") * 2 + lax.axis_index("c")
        for ci in range(CHUNKS_PER_W):
            chunk = wid * CHUNKS_PER_W + ci

            pltpu.async_copy(idx_hbm.at[chunk], idx_v, sem).wait()
            pltpu.async_copy(mag_hbm.at[chunk], mag_v, sem).wait()

            @pl.loop(0, HIST, step=16)
            def _zero(k):
                hist_v[pl.ds(k, 16)] = jnp.zeros((16,), jnp.float32)

            @pl.loop(0, CHUNK_ELEMS, step=16)
            def _scat(j):
                iv = idx_v[pl.ds(j, 16)]
                mv = mag_v[pl.ds(j, 16)]
                plsc.addupdate_scatter(hist_v, [iv], mv)

            pltpu.sync_copy(hist_v, out_hbm.at[chunk])

    return _sc_hist


def _tc_norm_body(h_ref, o_ref):
    h = h_ref[...]
    s = jnp.sum(h * h, axis=1, keepdims=True)
    nrm = jnp.maximum(jnp.sqrt(s), 1e-12)
    o_ref[...] = h / nrm


_tc_norm = pl.pallas_call(
    _tc_norm_body,
    out_shape=jax.ShapeDtypeStruct((NCHUNK * CELLS_T, NBINS), jnp.float32),
)


def _sobel_conv(x, w):
    return lax.conv_general_dilated(
        x, w, window_strides=(1, 1), padding='VALID',
        dimension_numbers=('NCHW', 'OIHW', 'NCHW'))


def kernel(x):
    sobel = jnp.array([[1., 0., -1.], [2., 0., -2.], [1., 0., -1.]],
                      dtype=jnp.float32)
    weight_t = sobel.reshape(1, 1, 3, 3)
    weight_f = sobel.T.reshape(1, 1, 3, 3)
    xp = jnp.pad(x, ((0, 0), (0, 0), (1, 1), (1, 1)), mode='reflect')
    gx = _sobel_conv(xp, weight_t)
    gy = _sobel_conv(xp, weight_f)
    grad_mag = jnp.sqrt(gx ** 2 + gy ** 2)
    phase = jnp.arctan2(gx, gy) / jnp.pi * NBINS
    phase_bin = jnp.floor(phase).astype(jnp.int32) % NBINS
    bins = phase_bin[:, 0]
    mag = grad_mag[:, 0]
    tb = (jnp.arange(T, dtype=jnp.int32) // PT)[None, None, :]
    idx = tb * NBINS + bins
    idxp = jnp.pad(idx, ((0, 0), (0, 0), (0, TPAD - T)))
    magp = jnp.pad(mag, ((0, 0), (0, 0), (0, TPAD - T)))
    hist = _make_sc_hist()(idxp.reshape(NCHUNK, CHUNK_ELEMS),
                           magp.reshape(NCHUNK, CHUNK_ELEMS))
    out = _tc_norm(hist.reshape(NCHUNK * CELLS_T, NBINS))
    return out.reshape(B, NCHUNK * CELLS_T // B, NBINS)

# --- scband reference (transcript-rebuilt; emitter-appended) ---
"""Pipeline reference for scband-hoggenerator-mel-56994216018056 (READ-ONLY COPY).

The authoritative reference and input builder live on the scoring server;
editing this copy changes nothing except your own understanding.
"""

import jax, jax.numpy as jnp
import numpy as np


def setup_inputs(seed: int = 0) -> dict:
    key = jax.random.key(seed)
    x = jax.random.normal(key, (8, 1, 128, 500), dtype=jnp.float32)
    return {"x": x}


def _conv2d(x, w):
    return jax.lax.conv_general_dilated(
        x, w, window_strides=(1, 1), padding='VALID',
        dimension_numbers=('NCHW', 'OIHW', 'NCHW'))


def reference(x):
    nbins = 108
    pf = 16
    pt = 25
    B, C, F_, T_ = x.shape
    sobel = jnp.array([[1., 0., -1.], [2., 0., -2.], [1., 0., -1.]], dtype=jnp.float32)
    weight_t = sobel.reshape(1, 1, 3, 3)
    weight_f = sobel.T.reshape(1, 1, 3, 3)
    xp = jnp.pad(x, ((0, 0), (0, 0), (1, 1), (1, 1)), mode='reflect')
    gx = _conv2d(xp, weight_t)
    gy = _conv2d(xp, weight_f)
    grad_mag = jnp.sqrt(gx ** 2 + gy ** 2)
    phase = jnp.arctan2(gx, gy) / jnp.pi * nbins
    phase_bin = jnp.floor(phase).astype(jnp.int32) % nbins
    # scatter-add into per-pixel orientation histogram volume [B, nbins, F, T]
    bins = phase_bin[:, 0]          # [B, F, T]
    mag = grad_mag[:, 0]            # [B, F, T]
    out = jnp.zeros((B, nbins, F_, T_), dtype=jnp.float32)
    bi = jnp.arange(B)[:, None, None]
    fi = jnp.arange(F_)[None, :, None]
    ti = jnp.arange(T_)[None, None, :]
    out = out.at[bi, bins, fi, ti].add(mag)
    # NOTE: the original torch code multiplies grad_mag by the gaussian window
    # AFTER the scatter_add, so it has no effect on the output; faithfully omitted.
    # unfold + sum over pooling windows (stride == window size -> pure reshape)
    out = out.reshape(B, nbins, F_ // pf, pf, T_ // pt, pt).sum(axis=(3, 5))
    # F.normalize(p=2, dim=2) over nbins axis
    norm = jnp.sqrt(jnp.sum(out ** 2, axis=1, keepdims=True))
    out = out / jnp.maximum(norm, 1e-12)
    out = jnp.transpose(out, (0, 2, 3, 1)).reshape(B, -1, nbins)
    return out

if __name__ == "__main__":
    import jax
    _d = setup_inputs()
    print(jax.jit(kernel)(*tuple(_d.values())))

</pallas_src>

<mosaic_0001>
#map = affine_map<(d0, d1) -> (0, 0)>
module attributes {stable_mosaic.version = 14 : i64} {
  func.func @_sc_hist(%arg0: i32, %arg1: i32, %arg2: memref<64x8192xi32, #tpu.memory_space<hbm>>, %arg3: memref<64x8192xf32, #tpu.memory_space<hbm>>, %arg4: memref<64x2160xf32, #tpu.memory_space<hbm>>, %arg5: memref<8192xi32, #tpu.memory_space<vmem>>, %arg6: memref<8192xf32, #tpu.memory_space<vmem>>, %arg7: memref<2160xf32, #tpu.memory_space<vmem>>, %arg8: memref<!tpu.dma_semaphore, #tpu.memory_space<semaphore_mem>>) attributes {dimension_semantics = [#tpu.dimension_semantics<core_parallel>, #tpu.dimension_semantics<subcore_parallel>], iteration_bounds = array<i64: 2, 16>, scalar_prefetch = 0 : i64, scratch_operands = 4 : i64, tpu.core_type = #tpu.core_type<sc_vector_subcore>, window_params = [{transform_indices = #map}, {transform_indices = #map}, {transform_indices = #map}]} {
    %mul3A = arith.constant 2 : i32
    %mul3A_0 = arith.muli %arg1, %mul3A : i32
    %add3A = arith.addi %mul3A_0, %arg0 : i32
    %mul3A_1 = arith.constant 2 : i32
    %mul3A_2 = arith.muli %add3A, %mul3A_1 : i32
    %add3A_3 = arith.constant 0 : i32
    %add3A_4 = arith.addi %mul3A_2, %add3A_3 : i32
    %dma_start3A = arith.constant 0 : i32
    %dma_start3A_5 = tpu.memref_slice %arg2[%add3A_4, %dma_start3A] : memref<64x8192xi32, #tpu.memory_space<hbm>> -> memref<1x8192xi32, #tpu.memory_space<hbm>>
    %dma_start3A_6 = tpu.memref_squeeze %dma_start3A_5 : memref<1x8192xi32, #tpu.memory_space<hbm>> -> memref<8192xi32, #tpu.memory_space<hbm>>
    %dma_start3A_7 = arith.constant 0 : i32
    %dma_start3A_8 = tpu.memref_slice %arg2[%add3A_4, %dma_start3A_7] : memref<64x8192xi32, #tpu.memory_space<hbm>> -> memref<1x8192xi32, #tpu.memory_space<hbm>>
    %dma_start3A_9 = tpu.memref_squeeze %dma_start3A_8 : memref<1x8192xi32, #tpu.memory_space<hbm>> -> memref<8192xi32, #tpu.memory_space<hbm>>
    tpu.enqueue_dma source(%dma_start3A_9 : memref<8192xi32, #tpu.memory_space<hbm>>) target(%arg5 : memref<8192xi32, #tpu.memory_space<vmem>>) target_semaphore(%arg8 : memref<!tpu.dma_semaphore, #tpu.memory_space<semaphore_mem>>)
    %dma_wait3A = arith.constant 0 : i32
    %dma_wait3A_10 = tpu.memref_slice %arg2[%add3A_4, %dma_wait3A] : memref<64x8192xi32, #tpu.memory_space<hbm>> -> memref<1x8192xi32, #tpu.memory_space<hbm>>
    %dma_wait3A_11 = tpu.memref_squeeze %dma_wait3A_10 : memref<1x8192xi32, #tpu.memory_space<hbm>> -> memref<8192xi32, #tpu.memory_space<hbm>>
    %dma_wait3A_12 = arith.constant 0 : i32
    %dma_wait3A_13 = tpu.memref_slice %arg2[%add3A_4, %dma_wait3A_12] : memref<64x8192xi32, #tpu.memory_space<hbm>> -> memref<1x8192xi32, #tpu.memory_space<hbm>>
    %dma_wait3A_14 = tpu.memref_squeeze %dma_wait3A_13 : memref<1x8192xi32, #tpu.memory_space<hbm>> -> memref<8192xi32, #tpu.memory_space<hbm>>
    tpu.wait_dma2 semaphore(%arg8 : memref<!tpu.dma_semaphore, #tpu.memory_space<semaphore_mem>>) src(%dma_wait3A_14 : memref<8192xi32, #tpu.memory_space<hbm>>) dst(%arg5 : memref<8192xi32, #tpu.memory_space<vmem>>)
    %dma_start3A_15 = arith.constant 0 : i32
    %dma_start3A_16 = tpu.memref_slice %arg3[%add3A_4, %dma_start3A_15] : memref<64x8192xf32, #tpu.memory_space<hbm>> -> memref<1x8192xf32, #tpu.memory_space<hbm>>
    %dma_start3A_17 = tpu.memref_squeeze %dma_start3A_16 : memref<1x8192xf32, #tpu.memory_space<hbm>> -> memref<8192xf32, #tpu.memory_space<hbm>>
    %dma_start3A_18 = arith.constant 0 : i32
    %dma_start3A_19 = tpu.memref_slice %arg3[%add3A_4, %dma_start3A_18] : memref<64x8192xf32, #tpu.memory_space<hbm>> -> memref<1x8192xf32, #tpu.memory_space<hbm>>
    %dma_start3A_20 = tpu.memref_squeeze %dma_start3A_19 : memref<1x8192xf32, #tpu.memory_space<hbm>> -> memref<8192xf32, #tpu.memory_space<hbm>>
    tpu.enqueue_dma source(%dma_start3A_20 : memref<8192xf32, #tpu.memory_space<hbm>>) target(%arg6 : memref<8192xf32, #tpu.memory_space<vmem>>) target_semaphore(%arg8 : memref<!tpu.dma_semaphore, #tpu.memory_space<semaphore_mem>>)
    %dma_wait3A_21 = arith.constant 0 : i32
    %dma_wait3A_22 = tpu.memref_slice %arg3[%add3A_4, %dma_wait3A_21] : memref<64x8192xf32, #tpu.memory_space<hbm>> -> memref<1x8192xf32, #tpu.memory_space<hbm>>
    %dma_wait3A_23 = tpu.memref_squeeze %dma_wait3A_22 : memref<1x8192xf32, #tpu.memory_space<hbm>> -> memref<8192xf32, #tpu.memory_space<hbm>>
    %dma_wait3A_24 = arith.constant 0 : i32
    %dma_wait3A_25 = tpu.memref_slice %arg3[%add3A_4, %dma_wait3A_24] : memref<64x8192xf32, #tpu.memory_space<hbm>> -> memref<1x8192xf32, #tpu.memory_space<hbm>>
    %dma_wait3A_26 = tpu.memref_squeeze %dma_wait3A_25 : memref<1x8192xf32, #tpu.memory_space<hbm>> -> memref<8192xf32, #tpu.memory_space<hbm>>
    tpu.wait_dma2 semaphore(%arg8 : memref<!tpu.dma_semaphore, #tpu.memory_space<semaphore_mem>>) src(%dma_wait3A_26 : memref<8192xf32, #tpu.memory_space<hbm>>) dst(%arg6 : memref<8192xf32, #tpu.memory_space<vmem>>)
    %scan3A = arith.constant 0 : i32
    %scan3A_27 = arith.constant 135 : i32
    %scan3A_28 = arith.addi %scan3A, %scan3A_27 : i32
    %scan3A_29 = arith.constant 1 : i32
    scf.for %scan3A_74 = %scan3A to %scan3A_28 step %scan3A_29  : i32 {
      %mul3A_75 = arith.constant 16 : i32
      %mul3A_76 = arith.muli %scan3A_74, %mul3A_75 : i32
      %add3A_77 = arith.constant 0 : i32
      %add3A_78 = arith.addi %add3A_77, %mul3A_76 : i32
      %broadcast_in_dim3A = arith.constant 0.000000e+00 : f32
      %broadcast_in_dim3A_79 = vector.broadcast %broadcast_in_dim3A : f32 to vector<16xf32>
      %swap3A = arith.index_cast %add3A_78 : i32 to index
      %swap3A_80 = tpu.vector_load %arg7[%swap3A] {strides = array<i32>} : memref<2160xf32, #tpu.memory_space<vmem>>, vector<16xf32>,
      tpu.vector_store %arg7[%swap3A], %broadcast_in_dim3A_79 {strides = array<i32>} : memref<2160xf32, #tpu.memory_space<vmem>>, vector<16xf32>,
    }
    %scan3A_30 = arith.constant 135 : i32
    %scan3A_31 = arith.constant 0 : i32
    %scan3A_32 = arith.constant 512 : i32
    %scan3A_33 = arith.addi %scan3A_31, %scan3A_32 : i32
    %scan3A_34 = arith.constant 1 : i32
    scf.for %scan3A_74 = %scan3A_31 to %scan3A_33 step %scan3A_34  : i32 {
      %mul3A_75 = arith.constant 16 : i32
      %mul3A_76 = arith.muli %scan3A_74, %mul3A_75 : i32
      %add3A_77 = arith.constant 0 : i32
      %add3A_78 = arith.addi %add3A_77, %mul3A_76 : i32
      %get3A = arith.index_cast %add3A_78 : i32 to index
      %get3A_79 = tpu.vector_load %arg5[%get3A] {strides = array<i32>} : memref<8192xi32, #tpu.memory_space<vmem>>, vector<16xi32>,
      %get3A_80 = arith.index_cast %add3A_78 : i32 to index
      %get3A_81 = tpu.vector_load %arg6[%get3A_80] {strides = array<i32>} : memref<8192xf32, #tpu.memory_space<vmem>>, vector<16xf32>,
      tpu.vector_store_idx %arg7[%get3A_79], %get3A_81 {add = true} : memref<2160xf32, #tpu.memory_space<vmem>>[vector<16xi32>], vector<16xf32>,
    }
    %scan3A_35 = arith.constant 512 : i32
    "tpu.region"() ({
      %run_scoped3A = tpu.sem_alloc : memref<!tpu.dma_semaphore, #tpu.memory_space<semaphore_mem>>
      %dma_start3A_74 = arith.constant 0 : i32
      %dma_start3A_75 = tpu.memref_slice %arg4[%add3A_4, %dma_start3A_74] : memref<64x2160xf32, #tpu.memory_space<hbm>> -> memref<1x2160xf32, #tpu.memory_space<hbm>>
      %dma_start3A_76 = tpu.memref_squeeze %dma_start3A_75 : memref<1x2160xf32, #tpu.memory_space<hbm>> -> memref<2160xf32, #tpu.memory_space<hbm>>
      %dma_start3A_77 = arith.constant 0 : i32
      %dma_start3A_78 = tpu.memref_slice %arg4[%add3A_4, %dma_start3A_77] : memref<64x2160xf32, #tpu.memory_space<hbm>> -> memref<1x2160xf32, #tpu.memory_space<hbm>>
      %dma_start3A_79 = tpu.memref_squeeze %dma_start3A_78 : memref<1x2160xf32, #tpu.memory_space<hbm>> -> memref<2160xf32, #tpu.memory_space<hbm>>
      tpu.enqueue_dma source(%arg7 : memref<2160xf32, #tpu.memory_space<vmem>>) target(%dma_start3A_79 : memref<2160xf32, #tpu.memory_space<hbm>>) target_semaphore(%run_scoped3A : memref<!tpu.dma_semaphore, #tpu.memory_space<semaphore_mem>>)
      %dma_wait3A_80 = arith.constant 0 : i32
      %dma_wait3A_81 = tpu.memref_slice %arg4[%add3A_4, %dma_wait3A_80] : memref<64x2160xf32, #tpu.memory_space<hbm>> -> memref<1x2160xf32, #tpu.memory_space<hbm>>
      %dma_wait3A_82 = tpu.memref_squeeze %dma_wait3A_81 : memref<1x2160xf32, #tpu.memory_space<hbm>> -> memref<2160xf32, #tpu.memory_space<hbm>>
      %dma_wait3A_83 = arith.constant 0 : i32
      %dma_wait3A_84 = tpu.memref_slice %arg4[%add3A_4, %dma_wait3A_83] : memref<64x2160xf32, #tpu.memory_space<hbm>> -> memref<1x2160xf32, #tpu.memory_space<hbm>>
      %dma_wait3A_85 = tpu.memref_squeeze %dma_wait3A_84 : memref<1x2160xf32, #tpu.memory_space<hbm>> -> memref<2160xf32, #tpu.memory_space<hbm>>
      tpu.wait_dma2 semaphore(%run_scoped3A : memref<!tpu.dma_semaphore, #tpu.memory_space<semaphore_mem>>) src(%arg7 : memref<2160xf32, #tpu.memory_space<vmem>>) dst(%dma_wait3A_85 : memref<2160xf32, #tpu.memory_space<hbm>>)
      tpu.yield
    }) : () -> ()
    %mul3A_36 = arith.constant 2 : i32
    %mul3A_37 = arith.muli %add3A, %mul3A_36 : i32
    %add3A_38 = arith.constant 1 : i32
    %add3A_39 = arith.addi %mul3A_37, %add3A_38 : i32
    %dma_start3A_40 = arith.constant 0 : i32
    %dma_start3A_41 = tpu.memref_slice %arg2[%add3A_39, %dma_start3A_40] : memref<64x8192xi32, #tpu.memory_space<hbm>> -> memref<1x8192xi32, #tpu.memory_space<hbm>>
    %dma_start3A_42 = tpu.memref_squeeze %dma_start3A_41 : memref<1x8192xi32, #tpu.memory_space<hbm>> -> memref<8192xi32, #tpu.memory_space<hbm>>
    %dma_start3A_43 = arith.constant 0 : i32
    %dma_start3A_44 = tpu.memref_slice %arg2[%add3A_39, %dma_start3A_43] : memref<64x8192xi32, #tpu.memory_space<hbm>> -> memref<1x8192xi32, #tpu.memory_space<hbm>>
    %dma_start3A_45 = tpu.memref_squeeze %dma_start3A_44 : memref<1x8192xi32, #tpu.memory_space<hbm>> -> memref<8192xi32, #tpu.memory_space<hbm>>
    tpu.enqueue_dma source(%dma_start3A_45 : memref<8192xi32, #tpu.memory_space<hbm>>) target(%arg5 : memref<8192xi32, #tpu.memory_space<vmem>>) target_semaphore(%arg8 : memref<!tpu.dma_semaphore, #tpu.memory_space<semaphore_mem>>)
    %dma_wait3A_46 = arith.constant 0 : i32
    %dma_wait3A_47 = tpu.memref_slice %arg2[%add3A_39, %dma_wait3A_46] : memref<64x8192xi32, #tpu.memory_space<hbm>> -> memref<1x8192xi32, #tpu.memory_space<hbm>>
    %dma_wait3A_48 = tpu.memref_squeeze %dma_wait3A_47 : memref<1x8192xi32, #tpu.memory_space<hbm>> -> memref<8192xi32, #tpu.memory_space<hbm>>
    %dma_wait3A_49 = arith.constant 0 : i32
    %dma_wait3A_50 = tpu.memref_slice %arg2[%add3A_39, %dma_wait3A_49] : memref<64x8192xi32, #tpu.memory_space<hbm>> -> memref<1x8192xi32, #tpu.memory_space<hbm>>
    %dma_wait3A_51 = tpu.memref_squeeze %dma_wait3A_50 : memref<1x8192xi32, #tpu.memory_space<hbm>> -> memref<8192xi32, #tpu.memory_space<hbm>>
    tpu.wait_dma2 semaphore(%arg8 : memref<!tpu.dma_semaphore, #tpu.memory_space<semaphore_mem>>) src(%dma_wait3A_51 : memref<8192xi32, #tpu.memory_space<hbm>>) dst(%arg5 : memref<8192xi32, #tpu.memory_space<vmem>>)
    %dma_start3A_52 = arith.constant 0 : i32
    %dma_start3A_53 = tpu.memref_slice %arg3[%add3A_39, %dma_start3A_52] : memref<64x8192xf32, #tpu.memory_space<hbm>> -> memref<1x8192xf32, #tpu.memory_space<hbm>>
    %dma_start3A_54 = tpu.memref_squeeze %dma_start3A_53 : memref<1x8192xf32, #tpu.memory_space<hbm>> -> memref<8192xf32, #tpu.memory_space<hbm>>
    %dma_start3A_55 = arith.constant 0 : i32
    %dma_start3A_56 = tpu.memref_slice %arg3[%add3A_39, %dma_start3A_55] : memref<64x8192xf32, #tpu.memory_space<hbm>> -> memref<1x8192xf32, #tpu.memory_space<hbm>>
    %dma_start3A_57 = tpu.memref_squeeze %dma_start3A_56 : memref<1x8192xf32, #tpu.memory_space<hbm>> -> memref<8192xf32, #tpu.memory_space<hbm>>
    tpu.enqueue_dma source(%dma_start3A_57 : memref<8192xf32, #tpu.memory_space<hbm>>) target(%arg6 : memref<8192xf32, #tpu.memory_space<vmem>>) target_semaphore(%arg8 : memref<!tpu.dma_semaphore, #tpu.memory_space<semaphore_mem>>)
    %dma_wait3A_58 = arith.constant 0 : i32
    %dma_wait3A_59 = tpu.memref_slice %arg3[%add3A_39, %dma_wait3A_58] : memref<64x8192xf32, #tpu.memory_space<hbm>> -> memref<1x8192xf32, #tpu.memory_space<hbm>>
    %dma_wait3A_60 = tpu.memref_squeeze %dma_wait3A_59 : memref<1x8192xf32, #tpu.memory_space<hbm>> -> memref<8192xf32, #tpu.memory_space<hbm>>
    %dma_wait3A_61 = arith.constant 0 : i32
    %dma_wait3A_62 = tpu.memref_slice %arg3[%add3A_39, %dma_wait3A_61] : memref<64x8192xf32, #tpu.memory_space<hbm>> -> memref<1x8192xf32, #tpu.memory_space<hbm>>
    %dma_wait3A_63 = tpu.memref_squeeze %dma_wait3A_62 : memref<1x8192xf32, #tpu.memory_space<hbm>> -> memref<8192xf32, #tpu.memory_space<hbm>>
    tpu.wait_dma2 semaphore(%arg8 : memref<!tpu.dma_semaphore, #tpu.memory_space<semaphore_mem>>) src(%dma_wait3A_63 : memref<8192xf32, #tpu.memory_space<hbm>>) dst(%arg6 : memref<8192xf32, #tpu.memory_space<vmem>>)
    %scan3A_64 = arith.constant 0 : i32
    %scan3A_65 = arith.constant 135 : i32
    %scan3A_66 = arith.addi %scan3A_64, %scan3A_65 : i32
    %scan3A_67 = arith.constant 1 : i32
    scf.for %scan3A_74 = %scan3A_64 to %scan3A_66 step %scan3A_67  : i32 {
      %mul3A_75 = arith.constant 16 : i32
      %mul3A_76 = arith.muli %scan3A_74, %mul3A_75 : i32
      %add3A_77 = arith.constant 0 : i32
      %add3A_78 = arith.addi %add3A_77, %mul3A_76 : i32
      %broadcast_in_dim3A = arith.constant 0.000000e+00 : f32
      %broadcast_in_dim3A_79 = vector.broadcast %broadcast_in_dim3A : f32 to vector<16xf32>
      %swap3A = arith.index_cast %add3A_78 : i32 to index
      %swap3A_80 = tpu.vector_load %arg7[%swap3A] {strides = array<i32>} : memref<2160xf32, #tpu.memory_space<vmem>>, vector<16xf32>,
      tpu.vector_store %arg7[%swap3A], %broadcast_in_dim3A_79 {strides = array<i32>} : memref<2160xf32, #tpu.memory_space<vmem>>, vector<16xf32>,
    }
    %scan3A_68 = arith.constant 135 : i32
    %scan3A_69 = arith.constant 0 : i32
    %scan3A_70 = arith.constant 512 : i32
    %scan3A_71 = arith.addi %scan3A_69, %scan3A_70 : i32
    %scan3A_72 = arith.constant 1 : i32
    scf.for %scan3A_74 = %scan3A_69 to %scan3A_71 step %scan3A_72  : i32 {
      %mul3A_75 = arith.constant 16 : i32
      %mul3A_76 = arith.muli %scan3A_74, %mul3A_75 : i32
      %add3A_77 = arith.constant 0 : i32
      %add3A_78 = arith.addi %add3A_77, %mul3A_76 : i32
      %get3A = arith.index_cast %add3A_78 : i32 to index
      %get3A_79 = tpu.vector_load %arg5[%get3A] {strides = array<i32>} : memref<8192xi32, #tpu.memory_space<vmem>>, vector<16xi32>,
      %get3A_80 = arith.index_cast %add3A_78 : i32 to index
      %get3A_81 = tpu.vector_load %arg6[%get3A_80] {strides = array<i32>} : memref<8192xf32, #tpu.memory_space<vmem>>, vector<16xf32>,
      tpu.vector_store_idx %arg7[%get3A_79], %get3A_81 {add = true} : memref<2160xf32, #tpu.memory_space<vmem>>[vector<16xi32>], vector<16xf32>,
    }
    %scan3A_73 = arith.constant 512 : i32
    "tpu.region"() ({
      %run_scoped3A = tpu.sem_alloc : memref<!tpu.dma_semaphore, #tpu.memory_space<semaphore_mem>>
      %dma_start3A_74 = arith.constant 0 : i32
      %dma_start3A_75 = tpu.memref_slice %arg4[%add3A_39, %dma_start3A_74] : memref<64x2160xf32, #tpu.memory_space<hbm>> -> memref<1x2160xf32, #tpu.memory_space<hbm>>
      %dma_start3A_76 = tpu.memref_squeeze %dma_start3A_75 : memref<1x2160xf32, #tpu.memory_space<hbm>> -> memref<2160xf32, #tpu.memory_space<hbm>>
      %dma_start3A_77 = arith.constant 0 : i32
      %dma_start3A_78 = tpu.memref_slice %arg4[%add3A_39, %dma_start3A_77] : memref<64x2160xf32, #tpu.memory_space<hbm>> -> memref<1x2160xf32, #tpu.memory_space<hbm>>
      %dma_start3A_79 = tpu.memref_squeeze %dma_start3A_78 : memref<1x2160xf32, #tpu.memory_space<hbm>> -> memref<2160xf32, #tpu.memory_space<hbm>>
      tpu.enqueue_dma source(%arg7 : memref<2160xf32, #tpu.memory_space<vmem>>) target(%dma_start3A_79 : memref<2160xf32, #tpu.memory_space<hbm>>) target_semaphore(%run_scoped3A : memref<!tpu.dma_semaphore, #tpu.memory_space<semaphore_mem>>)
      %dma_wait3A_80 = arith.constant 0 : i32
      %dma_wait3A_81 = tpu.memref_slice %arg4[%add3A_39, %dma_wait3A_80] : memref<64x2160xf32, #tpu.memory_space<hbm>> -> memref<1x2160xf32, #tpu.memory_space<hbm>>
      %dma_wait3A_82 = tpu.memref_squeeze %dma_wait3A_81 : memref<1x2160xf32, #tpu.memory_space<hbm>> -> memref<2160xf32, #tpu.memory_space<hbm>>
      %dma_wait3A_83 = arith.constant 0 : i32
      %dma_wait3A_84 = tpu.memref_slice %arg4[%add3A_39, %dma_wait3A_83] : memref<64x2160xf32, #tpu.memory_space<hbm>> -> memref<1x2160xf32, #tpu.memory_space<hbm>>
      %dma_wait3A_85 = tpu.memref_squeeze %dma_wait3A_84 : memref<1x2160xf32, #tpu.memory_space<hbm>> -> memref<2160xf32, #tpu.memory_space<hbm>>
      tpu.wait_dma2 semaphore(%run_scoped3A : memref<!tpu.dma_semaphore, #tpu.memory_space<semaphore_mem>>) src(%arg7 : memref<2160xf32, #tpu.memory_space<vmem>>) dst(%dma_wait3A_85 : memref<2160xf32, #tpu.memory_space<hbm>>)
      tpu.yield
    }) : () -> ()
    return
  }
}

module attributes {stable_mosaic.version = 14 : i64} {
  func.func @_tc_norm_body(%arg0: memref<1280x108xf32, #tpu.memory_space<vmem>>, %arg1: memref<1280x108xf32, #tpu.memory_space<vmem>>) attributes {dimension_semantics = [], scalar_prefetch = 0 : i64, scratch_operands = 0 : i64, tpu.core_type = #tpu.core_type<tc>} {
    %get3A = arith.constant 0 : index
    %get3A_0 = arith.constant 0 : index
    %get3A_1 = vector.load %arg0[%get3A, %get3A_0] : memref<1280x108xf32, #tpu.memory_space<vmem>>, vector<1280x108xf32>
    %mul3A = arith.mulf %get3A_1, %get3A_1 : vector<1280x108xf32>
    %reduce_sum3A = arith.constant dense<0.000000e+00> : vector<1280xf32>
    %reduce_sum3A_2 = vector.multi_reduction <add>, %mul3A, %reduce_sum3A [1] : vector<1280x108xf32> to vector<1280xf32>
    %broadcast_in_dim3A = vector.shape_cast %reduce_sum3A_2 : vector<1280xf32> to vector<1280x1xf32>
    %sqrt3A = math.sqrt %broadcast_in_dim3A : vector<1280x1xf32>
    %max3A = arith.constant 9.99999996E-13 : f32
    %max3A_3 = vector.broadcast %max3A : f32 to vector<1280x1xf32>
    %max3A_4 = arith.maximumf %sqrt3A, %max3A_3 : vector<1280x1xf32>
    %div3A = vector.broadcast %max3A_4 : vector<1280x1xf32> to vector<1280x108xf32>
    %div3A_5 = arith.divf %get3A_1, %div3A : vector<1280x108xf32>
    %swap3A = arith.constant 0 : index
    %swap3A_6 = arith.constant 0 : index
    %swap3A_7 = vector.load %arg1[%swap3A, %swap3A_6] : memref<1280x108xf32, #tpu.memory_space<vmem>>, vector<1280x108xf32>
    tpu.vector_store %arg1[%swap3A, %swap3A_6], %div3A_5 {strides = array<i32>} : memref<1280x108xf32, #tpu.memory_space<vmem>>, vector<1280x108xf32>,
    return
  }
}

</mosaic_0001>

<sc_bundles>
// kernel: kernel.4.cloned.1.call-start
scs
__scs_entry_jumppad:
0x0: {  	(pc) =	sbr.rel $0x88, $3  }
0x1: {  	(tag) =	ssettag $0x0;
	lr =	simm.s32 $0x1  }
0x2: {  	[smem:$0x3FA0] =	sst lr;
	_ =	strace $0xD0000000  }
0x3: {  	_ = 	snop  }
0x4: {  	_ = 	snop  }
0x5: {  	_ = 	snop  }
0x6: {  	_ = 	snop  }
0x7: {  	_ = 	snop  }
__scs_overlays_trampoline_lowered:
0x8: {  	[smem:$0x3FAF] =	sst s0  }
0x9: {  	[smem:$0x3FB0] =	sst s1  }
0xa: {  	[smem:$0x3FB1] =	sst s2  }
0xb: {  	[smem:$0x3FB2] =	sst s3  }
0xc: {  	[smem:$0x3FB3] =	sst s4  }
0xd: {  	[smem:$0x3FB4] =	sst s5  }
0xe: {  	[smem:$0x3FB5] =	sst s6  }
0xf: {  	[smem:$0x3FB6] =	sst s7  }
0x10: {  	[smem:$0x3FB7] =	sst s8  }
0x11: {  	[smem:$0x3FB8] =	sst s9;
	s0 =	simm.s32 @!p0 $0x0  }
0x12: {  	s1 =	sld [smem:$0x3F9E];
	s0 =	simm.s32 @p0 $0x1  }
0x13: {  	[smem:$0x3FB9] =	sst s0;
	s0 =	simm.s32 @!p1 $0x0  }
0x14: {  	s2 =	sld [smem:$0x3F9D];
	s0 =	simm.s32 @p1 $0x1  }
0x15: {  	[smem:$0x3FBA] =	sst s0;
	s0 =	simm.s32 @!p2 $0x0  }
0x16: {  	s3 =	sld [smem:$0x3FDB];
	s0 =	simm.s32 @p2 $0x1  }
0x17: {  	s4 =	simm.s32 $0x1BF5;
	[smem:$0x3FBC] =	sst s0  }
0x18: {  	s0 =	sld [smem:$0x3F9F];
	_ =	swait.ge [sflag:s4], $0x0  }
0x19: {  	s7 =	sld [smem:$0x3FA0]  }
0x1a: {  	s8 =	sadd.s32 $0xFFFFE003, lr  }
0x1b: {  	s9 =	sadd.s32 $0xFFFFFEF7, lr;
	s5 =	simm.s32 $0xFFFFFFFF;
	p2 =	slt.u32 s8, $0xFFFFF086  }
0x1c: {  	p1 =	slt.u32 s9, $0xF7A;
	s5 =	simm.s32 @!p2 $0x0  }
0x1d: {  	s5 =	simm.s32 @p1 $0x1;
	p0 =	seq.s32 s7, s2  }
0x1e: {  	s7 =	smul.u32 @!p0 $0xF7A, s2;
	p2 =	seq.s32 @!p0 s5, $0x0  }
0x1f: {  	s9 =	smul.u32 $0xF7A, s1;
	s8 =	simm.s32 @!p0 $0x1BF5;
	p2 =	por !p2, p0  }
0x20: {  	[sflag:s8] =	ssyncset.s32 @!p0 $0xFFFFF086;
	s6 =	sadd.s32 @!p0 s3, s7;
	s7 =	simm.s32 @!p0 $0x108  }
0x21: {  	s3 =	sadd.s32 s3, s9;
	s6 =	sadd.s32 @!p0 $0x88, s6;
	s7 =	simm.s32 @p2 $0x1082  }
0x22: {  	[simem:s7], [sflag:s8] =	dma.local @!p0 [hbm:s6], $0xF7A  }
0x23: {  	s9 =	sor.u32 $0xD0000000, s2;
	s6 =	simm.s32 $0x108;
	_ =	swait.ge @!p0 [sflag:s8], $0x0  }
0x24: {  	s3 =	sadd.s32 $0x88, s3;
	s6 =	simm.s32 @!p1 $0x1082;
	[sflag:s4] =	ssyncset.s32 $0xFFFFF086  }
0x25: {  	[simem:s6], [sflag:s4] =	dma.local [hbm:s3], $0xF7A  }
0x26: {  	[smem:$0x3FA0] =	sst s1;
	(tag) =	ssettag s2;
	_ =	strace s9  }
0x27: {  	s1 =	sld [smem:$0x3FB0]  }
0x28: {  	s2 =	sld [smem:$0x3FB1]  }
0x29: {  	s4 =	sld [smem:$0x3FB3]  }
0x2a: {  	p0 =	seq.s32 s5, $0x0;
	s5 =	sld [smem:$0x3FB4]  }
0x2b: {  	s6 =	sld [smem:$0x3FB5]  }
0x2c: {  	s7 =	sld [smem:$0x3FB6]  }
0x2d: {  	s3 =	simm.s32 $0x108;
	s8 =	sld [smem:$0x3FB7]  }
0x2e: {  	s3 =	simm.s32 @!p0 $0x1082;
	s9 =	sld [smem:$0x3FB8]  }
0x2f: {  	lr =	sadd.s32 s0, s3;
	s0 =	sld [smem:$0x3FAF]  }
0x30: {  	s3 =	sld [smem:$0x3FB2]  }
0x31: {  	[smem:$0x3FBB] =	sst s10  }
0x32: {  	s10 =	sld [smem:$0x3FB9];
	_ =	sdelay $0x3  }
0x33: {  	p0 =	seq.s32 s10, $0x1;
	s10 =	sld [smem:$0x3FBB];
	_ =	sdelay $0x3  }
0x34: {  	[smem:$0x3FBB] =	sst s10  }
0x35: {  	s10 =	sld [smem:$0x3FBA];
	_ =	sdelay $0x3  }
0x36: {  	p1 =	seq.s32 s10, $0x1;
	s10 =	sld [smem:$0x3FBB];
	_ =	sdelay $0x3  }
0x37: {  	[smem:$0x3FBB] =	sst s10  }
0x38: {  	s10 =	sld [smem:$0x3FBC]  }
0x39: {  	_ = 	snop;
	(pc) =	sbr.ind lr, $3  }
0x3a: {  	_ = 	snop  }
0x3b: {  	_ = 	snop  }
0x3c: {  	p2 =	seq.s32 s10, $0x1;
	s10 =	sld [smem:$0x3FBB]  }
0x3d: {  	_ =	shalt  }
0x3e: {  	_ =	shalt  }
0x3f: {  	_ =	shalt  }
0x40: {  	_ =	shalt  }
0x41: {  	_ =	shalt  }
0x42: {  	_ =	shalt  }
0x43: {  	_ =	shalt  }
0x44: {  	_ =	shalt  }
0x45: {  	_ =	shalt  }
0x46: {  	_ =	shalt  }
0x47: {  	_ =	shalt  }
0x48: {  	_ =	shalt  }
0x49: {  	_ =	shalt  }
0x4a: {  	_ =	shalt  }
0x4b: {  	_ =	shalt  }
0x4c: {  	_ =	shalt  }
0x4d: {  	_ =	shalt  }
0x4e: {  	_ =	shalt  }
0x4f: {  	_ =	shalt  }
0x50: {  	_ =	shalt  }
0x51: {  	_ =	shalt  }
0x52: {  	_ =	shalt  }
0x53: {  	_ =	shalt  }
0x54: {  	_ =	shalt  }
0x55: {  	_ =	shalt  }
0x56: {  	_ =	shalt  }
0x57: {  	_ =	shalt  }
0x58: {  	_ =	shalt  }
0x59: {  	_ =	shalt  }
0x5a: {  	_ =	shalt  }
0x5b: {  	_ =	shalt  }
0x5c: {  	_ =	shalt  }
0x5d: {  	_ =	shalt  }
0x5e: {  	_ =	shalt  }
0x5f: {  	_ =	shalt  }
0x60: {  	_ =	shalt  }
0x61: {  	_ =	shalt  }
0x62: {  	_ =	shalt  }
0x63: {  	_ =	shalt  }
0x64: {  	_ =	shalt  }
0x65: {  	_ =	shalt  }
0x66: {  	_ =	shalt  }
0x67: {  	_ =	shalt  }
0x68: {  	_ =	shalt  }
0x69: {  	_ =	shalt  }
0x6a: {  	_ =	shalt  }
0x6b: {  	_ =	shalt  }
0x6c: {  	_ =	shalt  }
0x6d: {  	_ =	shalt  }
0x6e: {  	_ =	shalt  }
0x6f: {  	_ =	shalt  }
0x70: {  	_ =	shalt  }
0x71: {  	_ =	shalt  }
0x72: {  	_ =	shalt  }
0x73: {  	_ =	shalt  }
0x74: {  	_ =	shalt  }
0x75: {  	_ =	shalt  }
0x76: {  	_ =	shalt  }
0x77: {  	_ =	shalt  }
0x78: {  	_ =	shalt  }
0x79: {  	_ =	shalt  }
0x7a: {  	_ =	shalt  }
0x7b: {  	_ =	shalt  }
0x7c: {  	_ =	shalt  }
0x7d: {  	_ =	shalt  }
0x7e: {  	_ =	shalt  }
0x7f: {  	_ =	shalt  }
0x80: {  	_ =	shalt  }
0x81: {  	_ =	shalt  }
0x82: {  	_ =	shalt  }
0x83: {  	_ =	shalt  }
0x84: {  	_ =	shalt  }
0x85: {  	_ =	shalt  }
0x86: {  	_ =	shalt  }
0x87: {  	_ =	shalt  }
.Lfunc_end0:
.L_simem_size_0:
called_computation_lowered:
.L_overlay_start_0:
0x88: {  	s2 =	sld [smem:$0x3FD9]  }
0x89: {  	s3 =	sld [smem:$0x3FFE];
	_ =	sdelay $0x1  }
0x8a: {  	s1 =	srdreg.scid  }
0x8b: {  	s0 =	sand.u32 $0x1, s1  }
0x8c: {  	s17 =	sshll.u32 s0, $0xA;
	s2 =	sadd.s32 s3, s2  }
0x8d: {  	s2 =	sadd.s32 s2, s17  }
0x8e: {  	[smem:$0x3FC7] =	sst s2  }
0x8f: {  	_ = 	snop  }
0x90: {  	s2 =	sld [smem:$0x3FD0];
	(tm) =	ssettm $0x1  }
0x91: {  	s18 =	sld [smem:$0x3FFB];
	_ =	sdelay $0x3  }
0x92: {  	_ =	strace s18  }
0x93: {  	s3 =	sld [smem:$0x3FFC];
	_ =	sdelay $0x3  }
0x94: {  	_ =	strace s3  }
0x95: {  	s3 =	sld [smem:$0x3FFD];
	_ =	sdelay $0x3  }
0x96: {  	_ =	strace s3  }
0x97: {  	_ =	strace $0x8FFFFFFF  }
0x98: {  	s19 =	sld [smem:$0x3FDB];
	_ =	sdelay $0x1  }
0x99: {  	s4 =	simm.s32 $_scs_section_size  }
0x9a: {  	s5 =	simm.s32 $_size__tile_overlayer_lowered;
	s6 =	simm.s32 $_tile_overlayer_lowered  }
0x9b: {  	s22 =	simm.s32 $0x1BFF;
	s21 =	sshll.u32 s6, $0x1;
	s3 =	sadd.s32 s4, s19  }
0x9c: {  	s7 =	simm.s32 $0x0;
	s20 =	sshll.u32 s5, $0x1;
	s5 =	sadd.s32 s21, s3  }
0x9d: {  	[timem:s7], [sflag:s22] =	dma.local [hbm:s5], s20  }
0x9e: {  	_ =	swait.ge [sflag:s22], s20  }
0x9f: {  	s4 =	ssub.s32 $0x0, s20;
	[sflag:s22] =	ssyncset.done $0x0  }
0xa0: {  	[sflag:s22] =	ssyncadd.s32 s4;
	_ =	sdelay $0x1  }
0xa1: {  	s23 =	simm.s32 $0x1B8B  }
0xa2: {  	_ =	swait.ge [sflag:s23], $0x1  }
0xa3: {  	[sflag:s23] =	ssyncset.done $0x0  }
0xa4: {  	s25 =	simm.s32 $0x1B8E;
	s24 =	sld [smem:$0x3FFE];
	[sflag:s23] =	ssyncadd.s32 $0xFFFFFFFF  }
0xa5: {  	s26 =	simm.s32 $execute0_lowered;
	[smem:$0x3FD2] =	sst s25  }
0xa6: {  	s5 =	sshll.u32 s26, $0x1;
	_ =	strace $0x80000046;
	[dreg:$0x1] =	wrdreg $0xFFFFFFFF  }
0xa7: {  	s28 =	simm.s32 $_size_execute0_lowered;
	s3 =	sadd.s32 s3, s5;
	[dreg:$0x0] =	wrdreg $0x0  }
0xa8: {  	s5 =	sshll.u32 s28, $0x1;
	[dreg:$0x2] =	wrdreg s3  }
0xa9: {  	[dreg:$0x3] =	wrdreg s5  }
0xaa: {  	[dreg:$0x4] =	wrdreg $0xC0  }
0xab: {  	_ =	task [dreg:s7], $0x5FFFF  }
0xac: {  	[dreg:$0x1] =	wrdreg $0xFFFFFFFF  }
0xad: {  	[dreg:$0x0] =	wrdreg $0x60  }
0xae: {  	[dreg:$0x2] =	wrdreg s24  }
0xaf: {  	[dreg:$0x3] =	wrdreg s2  }
0xb0: {  	[dreg:$0x4] =	wrdreg $0x9  }
0xb1: {  	_ =	task.clear_ibuf [dreg:s7], $0x5FFFF;
	_ =	strace $0x90000046  }
0xb2: {  	s29 =	simm.s32 $0x9;
	_ =	strace $0x80000048  }
0xb3: {  	_ =	swait.ge [sflag:s29], $0x1  }
0xb4: {  	[sflag:s29] =	ssyncadd.s32 $0xFFFFFFFF  }
0xb5: {  	_ =	strace $0x90000048  }
0xb6: {  	_ =	sfence  }
0xb7: {  	s30 =	sld [smem:$0x0];
	_ =	sdelay $0x2  }
0xb8: {  	s31 =	sshll.u32 s1, $0xD;
	s1 =	sshrl.u32 s1, $0x2  }
0xb9: {  	s3 =	sand.u32 $0x4000, s31;
	s1 =	sadd.s32 s1, s30  }
0xba: {  	s0 =	sor.u32 s3, s0;
	s1 =	sshll.u32 s1, $0x11  }
0xbb: {  	s0 =	sor.u32 s1, s0  }
0xbc: {  	s0 =	sadd.s32 $0x8F2B, s0  }
0xbd: {  	[sflag:s0] =	ssyncadd.remote.s32 $0x1  }
0xbe: {  	_ =	sfence.sel $0xFFFF  }
0xbf: {  	[dreg:$0x0] =	wrdreg $0xFFFFFFFF;
	(pc) =	sbr.abs _section_cstart, $3  }
0xc0: {  	[dreg:$0x1] =	wrdreg $0xFFFFFFFF  }
0xc1: {  	_ =	task.clear_ibuf [dreg:s7], $0x2FFFF;
	_ =	strace $0x9FFFFFFF  }
0xc2: {  	(tm) =	ssettm $0x7FFFFFFF  }
0xc3: {  	_ =	shalt  }
tec
execute0_lowered:
.L_overlay_start_1:
0x0: {  	(tag) =	ssettag $0x1  }
0x1: {  	s3 =	rddreg [dreg:$0x0]  }
0x2: {  	s8 =	rddreg [dreg:$0x1]  }
0x3: {  	s0 =	rddreg [dreg:$0x2];
	s2 =	simm.s32 $0x0;
	s4 =	srdreg.scid  }
0x4: {  	s1 =	stileid.u32;
	s14 =	simm.s32 $0x4000;
	s15 =	simm.s32 $0x2  }
0x5: {  	s16 =	simm.s32 $0x0;
	[smem:$0x7FF] =	sst s2;
	s6 =	sadd.s32 $0x1000, s3  }
0x6: {  	s4 =	sand.u32 $0x1, s4;
	s5 =	sshll.u32 s1, $0x9;
	s9 =	sshrl.u32 s1, $0x1  }
0x7: {  	s12 =	sadd.s32 $0x11000, s3;
	s7 =	sshll.u32 s4, $0x8;
	s5 =	sand.u32 $0x200, s5  }
0x8: {  	s4 =	ssub.s32 $0x2, s4;
	s28 =	sshll.u32 s9, $0x10;
	s9 =	smul.u32 $0x4400, s9  }
0x9: {  	_ =	strace $0x80000047;
	s5 =	sor.u32 s7, s5;
	s10 =	sshrl.u32 s4, $0x1  }
0xa: {  	s11 =	sor.u32 s28, s5;
	s10 =	ssub.s32 s4, s10;
	s30 =	sor.u32 s9, s5  }
0xb: {  	s13 =	sor.u32 $0x80, s5;
	s29 =	sshrl.u32 s11, $0x3;
	s31 =	sshrl.u32 s30, $0x3  }
0xc: {  	s7 =	sor.u32 s28, s13;
	s9 =	sor.u32 s9, s13;
	s11 =	simm.s32 $0x400  }
0xd: {  	s13 =	simm.s32 $0x2000;
	s3 =	sadd.s32 s6, s29;
	s4 =	sadd.s32 s12, s29  }
0xe: {  	s5 =	sadd.s32 s8, s31;
	s7 =	sshrl.u32 s7, $0x3;
	s9 =	sshrl.u32 s9, $0x3  }
0xf: {  	s6 =	sadd.s32 s6, s7;
	s7 =	sadd.s32 s12, s7;
	s8 =	sadd.s32 s8, s9  }
0x10: {  	v0 =	vimm.f32 $0.0e+00;
	s9 =	smax.u32 s10, $0x1;
	s10 =	simm.s32 $0x80;
	s12 =	simm.s32 $0x1  }
.LBB2_1:
0x11: {  	[tilespmem:s2], [sflag:$0x1] =	stream.strided.gather [hbm4b:s3+s10], $0x2000, s11, s10, $0x38;
	[tilespmem:$0x4880] =	vst v63  }
0x12: {  	_ =	swait.ge [sflag:s12], $0x2000  }
0x13: {  	[sflag:s12] =	ssyncset.done $0x0  }
0x14: {  	[sflag:s12] =	ssyncadd.s32 $0xFFFFE000  }
0x15: {  	[tilespmem:s13], [sflag:$0x1] =	stream.strided.gather [hbm4b:s4+s10], $0x2000, s11, s10, $0x38;
	[tilespmem:$0x4880] =	vst v63  }
0x16: {  	_ =	swait.ge [sflag:s12], $0x2000  }
0x17: {  	[sflag:s12] =	ssyncset.done $0x0  }
0x18: {  	s17 =	simm.s32 $0x0;
	[sflag:s12] =	ssyncadd.s32 $0xFFFFE000  }
.LBB2_2:
0x19: {  	p0 =	sne.s32 s17, $0x2180  }
.Ltmp0:
0x1a: {  	_ = 	snop;
	(pc) =	sbr.rel @p0 .LBB2_2-.Ltmp0, $3  }
0x1b: {  	_ =	sdelay $0x1  }
0x1c: {  	s18 =	sshra.s32 s17, $0x2  }
0x1d: {  	s17 =	sadd.s32 $0x40, s17;
	[tilespmem:s18+$0x4000] =	vst v0  }
0x1e: {  	s18 =	simm.s32 $0x0;
	s17 =	simm.s32 $0x40  }
.LBB2_4:
0x1f: {  	p0 =	sne.s32 s17, $0x7FC0;
	v1 =	vld [tilespmem:s18+$0x0];
	_ =	sdelay $0x2  }
0x20: {  	v2 =	vld [tilespmem:s18+$0x2000]  }
.Ltmp1:
0x21: {  	(pc) =	sbr.rel @p0 .LBB2_4-.Ltmp1, $2  }
0x22: {  	_ =	sdelay $0x2  }
0x23: {  	s18 =	sshra.s32 s17, $0x2;
	s17 =	sadd.s32 $0x40, s17;
	[tilespmem:v1+s14+$0x0] =	vst.idx.add.f32.msk $0xffff, v2  }
0x24: {  	v1 =	vld [tilespmem:s18+$0x0];
	_ =	sdelay $0x2  }
0x25: {  	v2 =	vld [tilespmem:s18+$0x2000];
	_ =	sdelay $0x4  }
0x26: {  	[tilespmem:v1+s14+$0x0] =	vst.idx.add.f32.msk $0xffff, v2  }
0x27: {  	[hbm4b:s5+s10] =	stream.strided.scatter [tilespmem:s14], [sflag:$0x2], $0x880, s11, s10, $0x38;
	[tilespmem:$0x4880] =	vst v63  }
0x28: {  	_ =	swait.ge [sflag:s15], $0x880  }
0x29: {  	[sflag:s15] =	ssyncset.done $0x0  }
0x2a: {  	s17 =	simm.s32 $0x0;
	[sflag:s15] =	ssyncadd.s32 $0xFFFFF780  }
0x2b: {  	[tilespmem:s17], [sflag:$0x1] =	stream.strided.gather [hbm4b:s6+s10], $0x2000, s11, s10, $0x38;
	[tilespmem:$0x4880] =	vst v63  }
0x2c: {  	_ =	swait.ge [sflag:s12], $0x2000  }
0x2d: {  	[sflag:s12] =	ssyncset.done $0x0  }
0x2e: {  	[sflag:s12] =	ssyncadd.s32 $0xFFFFE000  }
0x2f: {  	[tilespmem:s13], [sflag:$0x1] =	stream.strided.gather [hbm4b:s7+s10], $0x2000, s11, s10, $0x38;
	[tilespmem:$0x4880] =	vst v63  }
0x30: {  	_ =	swait.ge [sflag:s12], $0x2000  }
0x31: {  	[sflag:s12] =	ssyncset.done $0x0  }
0x32: {  	s18 =	simm.s32 $0x0;
	s17 =	simm.s32 $0x40;
	[sflag:s12] =	ssyncadd.s32 $0xFFFFE000  }
.LBB2_6:
0x33: {  	p0 =	sne.s32 s17, $0x2180;
	[tilespmem:s18+$0x4000] =	vst v0;
	s18 =	smov.u32 s17;
	s17 =	sadd.s32 $0x40, s17  }
.Ltmp2:
0x34: {  	(pc) =	sbr.rel @p0 .LBB2_6-.Ltmp2, $2  }
0x35: {  	_ =	sdelay $0x2  }
0x36: {  	s18 =	sshra.s32 s18, $0x2  }
0x37: {  	[tilespmem:s18+$0x4000] =	vst v0;
	s18 =	simm.s32 $0x0;
	s17 =	simm.s32 $0x40  }
.LBB2_8:
0x38: {  	p0 =	sne.s32 s17, $0x7FC0;
	v1 =	vld [tilespmem:s18+$0x0];
	_ =	sdelay $0x2  }
0x39: {  	v2 =	vld [tilespmem:s18+$0x2000]  }
.Ltmp3:
0x3a: {  	(pc) =	sbr.rel @p0 .LBB2_8-.Ltmp3, $2  }
0x3b: {  	_ =	sdelay $0x2  }
0x3c: {  	s18 =	sshra.s32 s17, $0x2;
	s17 =	sadd.s32 $0x40, s17;
	[tilespmem:v1+s14+$0x0] =	vst.idx.add.f32.msk $0xffff, v2  }
0x3d: {  	v1 =	vld [tilespmem:s18+$0x0];
	_ =	sdelay $0x2  }
0x3e: {  	v2 =	vld [tilespmem:s18+$0x2000];
	_ =	sdelay $0x2  }
0x3f: {  	s16 =	sadd.s32 $0x1, s16  }
0x40: {  	p0 =	sne.s32 s16, s9  }
.Ltmp4:
0x41: {  	[tilespmem:v1+s14+$0x0] =	vst.idx.add.f32.msk $0xffff, v2;
	(pc) =	sbr.rel @p0 .LBB2_1-.Ltmp4, $4  }
0x42: {  	[hbm4b:s8+s10] =	stream.strided.scatter [tilespmem:s14], [sflag:$0x2], $0x880, s11, s10, $0x38;
	[tilespmem:$0x4880] =	vst v63  }
0x43: {  	_ =	swait.ge [sflag:s15], $0x880  }
0x44: {  	[sflag:s15] =	ssyncset.done $0x0  }
0x45: {  	[sflag:s15] =	ssyncadd.s32 $0xFFFFF780  }
0x46: {  	_ =	sfence.sel $0x180000  }
0x47: {  	[bflag:$0x0] =	sbarrier.arrive $0xFFFF  }
0x48: {  	p0 =	sne.s32 s1, $0x0;
	_ =	strace $0x90000047  }
0x49: {  	s0 =	sadd.s32 @!p0 $0x100000, s0;
	[bflag:$0x2] =	sbarrier.arrive $0xFFFF  }
0x4a: {  	[sflag:s0] =	ssyncadd.tile.s32 @!p0 $0x1;
	_ =	shalt  }
.Lfunc_end2:
_tile_overlayer_lowered:
.L_overlay_start_2:
0x4b: {  	(tag) =	ssettag $0x2  }
0x4c: {  	s0 =	rddreg [dreg:$0x0];
	s2 =	stileid.u32  }
0x4d: {  	s1 =	rddreg [dreg:$0x1];
	p0 =	sne.s32 s2, $0x0  }
0x4e: {  	s3 =	rddreg [dreg:$0x2];
	[bflag:$0x3] =	sbarrier.arrive $0xFFFF;
	s2 =	simm.s32 @!p0 $0x1C02  }
0x4f: {  	[timem:s3], [sflag:s2] =	dma.local @!p0 [hbm:s0], s1  }
0x50: {  	s0 =	simm.s32 @!p0 $0x2  }
0x51: {  	_ =	swait.ge @!p0 [sflag:s0], s1  }
0x52: {  	s1 =	ssub.s32 @!p0 $0x0, s1;
	[sflag:s0] =	ssyncset.done @!p0 $0x0  }
0x53: {  	[sflag:s0] =	ssyncadd.s32 @!p0 s1  }
0x54: {  	[bflag:$0x3] =	sbarrier.arrive $0xFFFF  }
0x55: {  	_ =	shalt  }

</sc_bundles>
